<compile_context>
chip_gen: v7x
topology: tpu7x:2x2x1
jax: 0.10.2.dev20260603
libtpu: 0.0.44.dev20260713+nightly
codegen_flags: <defaults>
</compile_context>

<pallas_src>
import functools

import jax
import jax.numpy as jnp
from jax import lax
from jax.experimental import pallas as pl
from jax.experimental.pallas import tpu as pltpu
from jax.experimental.pallas import tpu_sc as plsc

_SOH_TOL = 0.05
_NEG_INF = -1e30
_INIT = -1.0e38
_KILL = -3.0e38
_K = 16
_TM = 2048


def _counts_body(c_ref, sv_ref, cnt_ref):
    m = pl.program_id(0)

    @pl.when(m == 0)
    def _init():
        cnt_ref[...] = jnp.zeros_like(cnt_ref)

    sv = sv_ref[0, 0, :]
    valid = jnp.abs(c_ref[...] - sv[None, :]) <= _SOH_TOL
    cnt_ref[...] = cnt_ref[...] + jnp.sum(
        valid.astype(jnp.float32), axis=1, keepdims=True)


def _insert(rv, ri, i16, mx, gidx):
    pos = jnp.sum((rv >= mx).astype(jnp.int32), axis=1, keepdims=True)
    sh_v = jnp.concatenate([rv[:, :1], rv[:, :_K - 1]], axis=1)
    sh_i = jnp.concatenate([ri[:, :1], ri[:, :_K - 1]], axis=1)
    rv = jnp.where(i16 < pos, rv, jnp.where(i16 == pos, mx, sh_v))
    ri = jnp.where(i16 < pos, ri, jnp.where(i16 == pos, gidx, sh_i))
    return rv, ri


def _topk_body(c_ref, tol_ref, q_ref, mem_ref, sv_ref, idx_out_ref,
               cand_ref, rv_ref, ri_ref):
    m = pl.program_id(0)
    n_m = pl.num_programs(0)
    bsz = q_ref.shape[0]
    tile = mem_ref.shape[0]

    @pl.when(m == 0)
    def _init():
        rv_ref[...] = jnp.full((bsz, _K), _INIT, jnp.float32)
        ri_ref[...] = jnp.zeros((bsz, _K), jnp.int32)

    sim = lax.dot_general(q_ref[...], mem_ref[...], (((1,), (1,)), ((), ())),
                          preferred_element_type=jnp.float32)
    sv = sv_ref[0, 0, :]
    valid = jnp.abs(c_ref[...] - sv[None, :]) <= tol_ref[...]
    cand0 = jnp.where(valid, sim, _NEG_INF)
    cand_ref[...] = cand0

    cols = lax.broadcasted_iota(jnp.int32, (bsz, tile), 1)
    i16 = lax.broadcasted_iota(jnp.int32, (bsz, _K), 1)
    mx0 = jnp.max(cand0, axis=1, keepdims=True)
    first0 = jnp.min(jnp.where(cand0 == mx0, cols, tile),
                     axis=1, keepdims=True)
    base = m * tile

    def cond(carry):
        rv, _, mx, _ = carry
        return jnp.any(mx > rv[:, _K - 1:_K])

    def body(carry):
        rv, ri, mx, first = carry
        rv, ri = _insert(rv, ri, i16, mx, base + first)
        cand = cand_ref[...]
        cand = jnp.where(cols == first, _KILL, cand)
        cand_ref[...] = cand
        mx2 = jnp.max(cand, axis=1, keepdims=True)
        first2 = jnp.min(jnp.where(cand == mx2, cols, tile),
                         axis=1, keepdims=True)
        return rv, ri, mx2, first2

    rv, ri, _, _ = lax.while_loop(
        cond, body, (rv_ref[...], ri_ref[...], mx0, first0))
    rv_ref[...] = rv
    ri_ref[...] = ri

    @pl.when(m == n_m - 1)
    def _fin():
        idx_out_ref[...] = ri


def _gather_rows(table, idx):
    bsz, kk = idx.shape
    _, dim = table.shape
    rows = (bsz * kk) // 128
    rpw = rows // 32
    idx2 = idx.reshape(rows, 128)
    mesh = plsc.VectorSubcoreMesh(core_axis_name="c", subcore_axis_name="s")

    @functools.partial(
        pl.kernel,
        out_type=jax.ShapeDtypeStruct((rows, 128, dim), jnp.float32),
        mesh=mesh,
        scratch_types=[
            pltpu.VMEM((rpw, 128), jnp.int32),
            pltpu.VMEM((rpw, 128, dim), jnp.float32),
            pltpu.SemaphoreType.DMA,
        ],
    )
    def gk(table_hbm, idx_hbm, out_hbm, idx_v, rows_v, sem):
        wid = lax.axis_index("s") * 2 + lax.axis_index("c")
        base = wid * rpw
        pltpu.sync_copy(idx_hbm.at[pl.ds(base, rpw)], idx_v)
        copies = [
            pltpu.async_copy(table_hbm.at[idx_v.at[i]], rows_v.at[i], sem)
            for i in range(rpw)
        ]
        for cp in copies:
            cp.wait()
        pltpu.sync_copy(rows_v, out_hbm.at[pl.ds(base, rpw)])

    return gk(table, idx2).reshape(bsz, kk, dim)


def kernel(query, memory_stack, soh_constraint, soh_values, k):
    bsz, dim = query.shape
    m_rows = memory_stack.shape[0]
    n_m = -(-m_rows // _TM)
    m_pad = n_m * _TM
    memp = jnp.pad(memory_stack, ((0, m_pad - m_rows), (0, 0)))
    svp = jnp.pad(soh_values, (0, m_pad - m_rows),
                  constant_values=2e9).reshape(n_m, 1, _TM)
    c2 = soh_constraint.reshape(bsz, 1)

    counts = pl.pallas_call(
        _counts_body,
        grid=(n_m,),
        in_specs=[pl.BlockSpec((bsz, 1), lambda m: (0, 0)),
                  pl.BlockSpec((1, 1, _TM), lambda m: (m, 0, 0))],
        out_specs=pl.BlockSpec((bsz, 1), lambda m: (0, 0)),
        out_shape=jax.ShapeDtypeStruct((bsz, 1), jnp.float32),
        compiler_params=pltpu.CompilerParams(
            dimension_semantics=("arbitrary",)),
    )(c2, svp)
    tol = jnp.where(counts < k, jnp.float32(_SOH_TOL * 2.0),
                    jnp.float32(_SOH_TOL))

    topk_idx = pl.pallas_call(
        _topk_body,
        grid=(n_m,),
        in_specs=[pl.BlockSpec((bsz, 1), lambda m: (0, 0)),
                  pl.BlockSpec((bsz, 1), lambda m: (0, 0)),
                  pl.BlockSpec((bsz, dim), lambda m: (0, 0)),
                  pl.BlockSpec((_TM, dim), lambda m: (m, 0)),
                  pl.BlockSpec((1, 1, _TM), lambda m: (m, 0, 0))],
        out_specs=pl.BlockSpec((bsz, _K), lambda m: (0, 0)),
        out_shape=jax.ShapeDtypeStruct((bsz, _K), jnp.int32),
        scratch_shapes=[pltpu.VMEM((bsz, _TM), jnp.float32),
                        pltpu.VMEM((bsz, _K), jnp.float32),
                        pltpu.VMEM((bsz, _K), jnp.int32)],
        compiler_params=pltpu.CompilerParams(
            dimension_semantics=("arbitrary",)),
    )(c2, tol, query, memp, svp)

    latents = _gather_rows(memory_stack, topk_idx)
    return latents, topk_idx

# --- scband reference (transcript-rebuilt; emitter-appended) ---
"""Pipeline reference for scband-radmodel-6253472383597 (READ-ONLY COPY).

The authoritative reference and input builder live on the scoring server;
editing this copy changes nothing except your own understanding.
"""

import jax, jax.numpy as jnp
import numpy as np

SOH_TOLERANCE = 0.05
NEG_INF = -1e30
TOP_K = 16


def setup_inputs(seed: int = 0) -> dict:
    key = jax.random.key(seed)
    k1, k2, k3, k4 = jax.random.split(key, 4)
    B, M, D = 1024, 100000, 128
    query = jax.random.normal(k1, (B, D), dtype=jnp.float32)
    memory_stack = jax.random.normal(k2, (M, D), dtype=jnp.float32)
    soh_constraint = jax.random.uniform(k3, (B,), dtype=jnp.float32)
    soh_values = jax.random.uniform(k4, (M,), dtype=jnp.float32)
    return {
        "query": query,
        "memory_stack": memory_stack,
        "soh_constraint": soh_constraint,
        "soh_values": soh_values,
        "k": 16,
    }


def reference(query, memory_stack, soh_constraint, soh_values, k):
    # MemoryBank.retrieve: similarity = query @ memory_stack.T
    similarity = jnp.matmul(query, memory_stack.T)  # [B, M]
    # SOH-constrained masking
    soh_diff = jnp.abs(soh_constraint[:, None] - soh_values[None, :])  # [B, M]
    valid_mask = soh_diff <= SOH_TOLERANCE
    valid_counts = valid_mask.sum(axis=1)
    rows_to_relax = valid_counts < k
    relaxed_mask = soh_diff <= SOH_TOLERANCE * 2.0
    valid_mask = jnp.where(rows_to_relax[:, None], relaxed_mask, valid_mask)
    sim_masked = jnp.where(valid_mask, similarity, NEG_INF)
    # top-k retrieval
    topk_vals, topk_indices = jax.lax.top_k(sim_masked, TOP_K)  # [B, k]
    # gather retrieved latents: memory_stack[topk_indices] -> [B, k, D]
    retrieved_latents = jnp.take(memory_stack, topk_indices, axis=0)
    return retrieved_latents, topk_indices

if __name__ == "__main__":
    import jax
    _d = setup_inputs()
    print(jax.jit(kernel)(*tuple(_d.values())))

</pallas_src>

<mosaic_0001>
#map = affine_map<(d0, d1) -> (0, 0)>
#map1 = affine_map<(d0, d1) -> (0, 0, 0)>
module attributes {stable_mosaic.version = 14 : i64} {
  func.func @gk(%arg0: i32, %arg1: i32, %arg2: memref<100000x128xf32, #tpu.memory_space<hbm>>, %arg3: memref<128x128xi32, #tpu.memory_space<hbm>>, %arg4: memref<128x128x128xf32, #tpu.memory_space<hbm>>, %arg5: memref<4x128xi32, #tpu.memory_space<vmem>>, %arg6: memref<4x128x128xf32, #tpu.memory_space<vmem>>, %arg7: memref<!tpu.dma_semaphore, #tpu.memory_space<semaphore_mem>>) attributes {dimension_semantics = [#tpu.dimension_semantics<core_parallel>, #tpu.dimension_semantics<subcore_parallel>], iteration_bounds = array<i64: 2, 16>, scalar_prefetch = 0 : i64, scratch_operands = 3 : i64, tpu.core_type = #tpu.core_type<sc_vector_subcore>, window_params = [{transform_indices = #map}, {transform_indices = #map}, {transform_indices = #map1}]} {
    %mul3A = arith.constant 2 : i32
    %mul3A_0 = arith.muli %arg1, %mul3A : i32
    %add3A = arith.addi %mul3A_0, %arg0 : i32
    %mul3A_1 = arith.constant 4 : i32
    %mul3A_2 = arith.muli %add3A, %mul3A_1 : i32
    "tpu.region"() ({
      %run_scoped3A = tpu.sem_alloc : memref<!tpu.dma_semaphore, #tpu.memory_space<semaphore_mem>>
      %dma_start3A_97 = arith.constant 0 : i32
      %dma_start3A_98 = tpu.memref_slice %arg3[%mul3A_2, %dma_start3A_97] : memref<128x128xi32, #tpu.memory_space<hbm>> -> memref<4x128xi32, #tpu.memory_space<hbm>>
      %dma_start3A_99 = arith.constant 0 : i32
      %dma_start3A_100 = tpu.memref_slice %arg3[%mul3A_2, %dma_start3A_99] : memref<128x128xi32, #tpu.memory_space<hbm>> -> memref<4x128xi32, #tpu.memory_space<hbm>>
      tpu.enqueue_dma source(%dma_start3A_100 : memref<4x128xi32, #tpu.memory_space<hbm>>) target(%arg5 : memref<4x128xi32, #tpu.memory_space<vmem>>) target_semaphore(%run_scoped3A : memref<!tpu.dma_semaphore, #tpu.memory_space<semaphore_mem>>)
      %dma_wait3A_101 = arith.constant 0 : i32
      %dma_wait3A_102 = tpu.memref_slice %arg3[%mul3A_2, %dma_wait3A_101] : memref<128x128xi32, #tpu.memory_space<hbm>> -> memref<4x128xi32, #tpu.memory_space<hbm>>
      %dma_wait3A_103 = arith.constant 0 : i32
      %dma_wait3A_104 = tpu.memref_slice %arg3[%mul3A_2, %dma_wait3A_103] : memref<128x128xi32, #tpu.memory_space<hbm>> -> memref<4x128xi32, #tpu.memory_space<hbm>>
      tpu.wait_dma2 semaphore(%run_scoped3A : memref<!tpu.dma_semaphore, #tpu.memory_space<semaphore_mem>>) src(%dma_wait3A_104 : memref<4x128xi32, #tpu.memory_space<hbm>>) dst(%arg5 : memref<4x128xi32, #tpu.memory_space<vmem>>)
      tpu.yield
    }) : () -> ()
    %dma_start3A = arith.constant 0 : i32
    %dma_start3A_3 = arith.constant 0 : i32
    %dma_start3A_4 = arith.constant 0 : i32
    %dma_start3A_5 = arith.constant 0 : i32
    %dma_start3A_6 = tpu.memref_slice %arg6[%dma_start3A_3, %dma_start3A_4, %dma_start3A_5] : memref<4x128x128xf32, #tpu.memory_space<vmem>> -> memref<1x128x128xf32, #tpu.memory_space<vmem>>
    %dma_start3A_7 = tpu.memref_squeeze %dma_start3A_6 : memref<1x128x128xf32, #tpu.memory_space<vmem>> -> memref<128x128xf32, #tpu.memory_space<vmem>>
    %dma_start3A_8 = arith.constant 0 : i32
    %dma_start3A_9 = tpu.memref_slice %arg5[%dma_start3A, %dma_start3A_8] : memref<4x128xi32, #tpu.memory_space<vmem>> -> memref<1x128xi32, #tpu.memory_space<vmem>>
    %dma_start3A_10 = tpu.memref_squeeze %dma_start3A_9 : memref<1x128xi32, #tpu.memory_space<vmem>> -> memref<128xi32, #tpu.memory_space<vmem>>
    %dma_start3A_11 = arith.constant 0 : i32
    %dma_start3A_12 = arith.constant 0 : i32
    %dma_start3A_13 = tpu.memref_slice %arg2[%dma_start3A_11, %dma_start3A_12] : memref<100000x128xf32, #tpu.memory_space<hbm>> -> memref<100000x128xf32, #tpu.memory_space<hbm>>
    tpu.enqueue_indirect_dma source(%dma_start3A_13 : memref<100000x128xf32, #tpu.memory_space<hbm>>) target(%dma_start3A_7 : memref<128x128xf32, #tpu.memory_space<vmem>>) offsets(%dma_start3A_10 : memref<128xi32, #tpu.memory_space<vmem>>) semaphore(%arg7 : memref<!tpu.dma_semaphore, #tpu.memory_space<semaphore_mem>>)
    %dma_start3A_14 = arith.constant 1 : i32
    %dma_start3A_15 = arith.constant 1 : i32
    %dma_start3A_16 = arith.constant 0 : i32
    %dma_start3A_17 = arith.constant 0 : i32
    %dma_start3A_18 = tpu.memref_slice %arg6[%dma_start3A_15, %dma_start3A_16, %dma_start3A_17] : memref<4x128x128xf32, #tpu.memory_space<vmem>> -> memref<1x128x128xf32, #tpu.memory_space<vmem>>
    %dma_start3A_19 = tpu.memref_squeeze %dma_start3A_18 : memref<1x128x128xf32, #tpu.memory_space<vmem>> -> memref<128x128xf32, #tpu.memory_space<vmem>>
    %dma_start3A_20 = arith.constant 0 : i32
    %dma_start3A_21 = tpu.memref_slice %arg5[%dma_start3A_14, %dma_start3A_20] : memref<4x128xi32, #tpu.memory_space<vmem>> -> memref<1x128xi32, #tpu.memory_space<vmem>>
    %dma_start3A_22 = tpu.memref_squeeze %dma_start3A_21 : memref<1x128xi32, #tpu.memory_space<vmem>> -> memref<128xi32, #tpu.memory_space<vmem>>
    %dma_start3A_23 = arith.constant 0 : i32
    %dma_start3A_24 = arith.constant 0 : i32
    %dma_start3A_25 = tpu.memref_slice %arg2[%dma_start3A_23, %dma_start3A_24] : memref<100000x128xf32, #tpu.memory_space<hbm>> -> memref<100000x128xf32, #tpu.memory_space<hbm>>
    tpu.enqueue_indirect_dma source(%dma_start3A_25 : memref<100000x128xf32, #tpu.memory_space<hbm>>) target(%dma_start3A_19 : memref<128x128xf32, #tpu.memory_space<vmem>>) offsets(%dma_start3A_22 : memref<128xi32, #tpu.memory_space<vmem>>) semaphore(%arg7 : memref<!tpu.dma_semaphore, #tpu.memory_space<semaphore_mem>>)
    %dma_start3A_26 = arith.constant 2 : i32
    %dma_start3A_27 = arith.constant 2 : i32
    %dma_start3A_28 = arith.constant 0 : i32
    %dma_start3A_29 = arith.constant 0 : i32
    %dma_start3A_30 = tpu.memref_slice %arg6[%dma_start3A_27, %dma_start3A_28, %dma_start3A_29] : memref<4x128x128xf32, #tpu.memory_space<vmem>> -> memref<1x128x128xf32, #tpu.memory_space<vmem>>
    %dma_start3A_31 = tpu.memref_squeeze %dma_start3A_30 : memref<1x128x128xf32, #tpu.memory_space<vmem>> -> memref<128x128xf32, #tpu.memory_space<vmem>>
    %dma_start3A_32 = arith.constant 0 : i32
    %dma_start3A_33 = tpu.memref_slice %arg5[%dma_start3A_26, %dma_start3A_32] : memref<4x128xi32, #tpu.memory_space<vmem>> -> memref<1x128xi32, #tpu.memory_space<vmem>>
    %dma_start3A_34 = tpu.memref_squeeze %dma_start3A_33 : memref<1x128xi32, #tpu.memory_space<vmem>> -> memref<128xi32, #tpu.memory_space<vmem>>
    %dma_start3A_35 = arith.constant 0 : i32
    %dma_start3A_36 = arith.constant 0 : i32
    %dma_start3A_37 = tpu.memref_slice %arg2[%dma_start3A_35, %dma_start3A_36] : memref<100000x128xf32, #tpu.memory_space<hbm>> -> memref<100000x128xf32, #tpu.memory_space<hbm>>
    tpu.enqueue_indirect_dma source(%dma_start3A_37 : memref<100000x128xf32, #tpu.memory_space<hbm>>) target(%dma_start3A_31 : memref<128x128xf32, #tpu.memory_space<vmem>>) offsets(%dma_start3A_34 : memref<128xi32, #tpu.memory_space<vmem>>) semaphore(%arg7 : memref<!tpu.dma_semaphore, #tpu.memory_space<semaphore_mem>>)
    %dma_start3A_38 = arith.constant 3 : i32
    %dma_start3A_39 = arith.constant 3 : i32
    %dma_start3A_40 = arith.constant 0 : i32
    %dma_start3A_41 = arith.constant 0 : i32
    %dma_start3A_42 = tpu.memref_slice %arg6[%dma_start3A_39, %dma_start3A_40, %dma_start3A_41] : memref<4x128x128xf32, #tpu.memory_space<vmem>> -> memref<1x128x128xf32, #tpu.memory_space<vmem>>
    %dma_start3A_43 = tpu.memref_squeeze %dma_start3A_42 : memref<1x128x128xf32, #tpu.memory_space<vmem>> -> memref<128x128xf32, #tpu.memory_space<vmem>>
    %dma_start3A_44 = arith.constant 0 : i32
    %dma_start3A_45 = tpu.memref_slice %arg5[%dma_start3A_38, %dma_start3A_44] : memref<4x128xi32, #tpu.memory_space<vmem>> -> memref<1x128xi32, #tpu.memory_space<vmem>>
    %dma_start3A_46 = tpu.memref_squeeze %dma_start3A_45 : memref<1x128xi32, #tpu.memory_space<vmem>> -> memref<128xi32, #tpu.memory_space<vmem>>
    %dma_start3A_47 = arith.constant 0 : i32
    %dma_start3A_48 = arith.constant 0 : i32
    %dma_start3A_49 = tpu.memref_slice %arg2[%dma_start3A_47, %dma_start3A_48] : memref<100000x128xf32, #tpu.memory_space<hbm>> -> memref<100000x128xf32, #tpu.memory_space<hbm>>
    tpu.enqueue_indirect_dma source(%dma_start3A_49 : memref<100000x128xf32, #tpu.memory_space<hbm>>) target(%dma_start3A_43 : memref<128x128xf32, #tpu.memory_space<vmem>>) offsets(%dma_start3A_46 : memref<128xi32, #tpu.memory_space<vmem>>) semaphore(%arg7 : memref<!tpu.dma_semaphore, #tpu.memory_space<semaphore_mem>>)
    %dma_wait3A = arith.constant 0 : i32
    %dma_wait3A_50 = arith.constant 0 : i32
    %dma_wait3A_51 = arith.constant 0 : i32
    %dma_wait3A_52 = arith.constant 0 : i32
    %dma_wait3A_53 = tpu.memref_slice %arg6[%dma_wait3A_50, %dma_wait3A_51, %dma_wait3A_52] : memref<4x128x128xf32, #tpu.memory_space<vmem>> -> memref<1x128x128xf32, #tpu.memory_space<vmem>>
    %dma_wait3A_54 = tpu.memref_squeeze %dma_wait3A_53 : memref<1x128x128xf32, #tpu.memory_space<vmem>> -> memref<128x128xf32, #tpu.memory_space<vmem>>
    %dma_wait3A_55 = arith.constant 0 : i32
    %dma_wait3A_56 = tpu.memref_slice %arg5[%dma_wait3A, %dma_wait3A_55] : memref<4x128xi32, #tpu.memory_space<vmem>> -> memref<1x128xi32, #tpu.memory_space<vmem>>
    %dma_wait3A_57 = tpu.memref_squeeze %dma_wait3A_56 : memref<1x128xi32, #tpu.memory_space<vmem>> -> memref<128xi32, #tpu.memory_space<vmem>>
    %dma_wait3A_58 = arith.constant 0 : i32
    %dma_wait3A_59 = arith.constant 0 : i32
    %dma_wait3A_60 = tpu.memref_slice %arg2[%dma_wait3A_58, %dma_wait3A_59] : memref<100000x128xf32, #tpu.memory_space<hbm>> -> memref<100000x128xf32, #tpu.memory_space<hbm>>
    tpu.wait_indirect_dma semaphore(%arg7 : memref<!tpu.dma_semaphore, #tpu.memory_space<semaphore_mem>>) src(%dma_wait3A_60 : memref<100000x128xf32, #tpu.memory_space<hbm>>) dst(%dma_wait3A_54 : memref<128x128xf32, #tpu.memory_space<vmem>>)
    %dma_wait3A_61 = arith.constant 1 : i32
    %dma_wait3A_62 = arith.constant 1 : i32
    %dma_wait3A_63 = arith.constant 0 : i32
    %dma_wait3A_64 = arith.constant 0 : i32
    %dma_wait3A_65 = tpu.memref_slice %arg6[%dma_wait3A_62, %dma_wait3A_63, %dma_wait3A_64] : memref<4x128x128xf32, #tpu.memory_space<vmem>> -> memref<1x128x128xf32, #tpu.memory_space<vmem>>
    %dma_wait3A_66 = tpu.memref_squeeze %dma_wait3A_65 : memref<1x128x128xf32, #tpu.memory_space<vmem>> -> memref<128x128xf32, #tpu.memory_space<vmem>>
    %dma_wait3A_67 = arith.constant 0 : i32
    %dma_wait3A_68 = tpu.memref_slice %arg5[%dma_wait3A_61, %dma_wait3A_67] : memref<4x128xi32, #tpu.memory_space<vmem>> -> memref<1x128xi32, #tpu.memory_space<vmem>>
    %dma_wait3A_69 = tpu.memref_squeeze %dma_wait3A_68 : memref<1x128xi32, #tpu.memory_space<vmem>> -> memref<128xi32, #tpu.memory_space<vmem>>
    %dma_wait3A_70 = arith.constant 0 : i32
    %dma_wait3A_71 = arith.constant 0 : i32
    %dma_wait3A_72 = tpu.memref_slice %arg2[%dma_wait3A_70, %dma_wait3A_71] : memref<100000x128xf32, #tpu.memory_space<hbm>> -> memref<100000x128xf32, #tpu.memory_space<hbm>>
    tpu.wait_indirect_dma semaphore(%arg7 : memref<!tpu.dma_semaphore, #tpu.memory_space<semaphore_mem>>) src(%dma_wait3A_72 : memref<100000x128xf32, #tpu.memory_space<hbm>>) dst(%dma_wait3A_66 : memref<128x128xf32, #tpu.memory_space<vmem>>)
    %dma_wait3A_73 = arith.constant 2 : i32
    %dma_wait3A_74 = arith.constant 2 : i32
    %dma_wait3A_75 = arith.constant 0 : i32
    %dma_wait3A_76 = arith.constant 0 : i32
    %dma_wait3A_77 = tpu.memref_slice %arg6[%dma_wait3A_74, %dma_wait3A_75, %dma_wait3A_76] : memref<4x128x128xf32, #tpu.memory_space<vmem>> -> memref<1x128x128xf32, #tpu.memory_space<vmem>>
    %dma_wait3A_78 = tpu.memref_squeeze %dma_wait3A_77 : memref<1x128x128xf32, #tpu.memory_space<vmem>> -> memref<128x128xf32, #tpu.memory_space<vmem>>
    %dma_wait3A_79 = arith.constant 0 : i32
    %dma_wait3A_80 = tpu.memref_slice %arg5[%dma_wait3A_73, %dma_wait3A_79] : memref<4x128xi32, #tpu.memory_space<vmem>> -> memref<1x128xi32, #tpu.memory_space<vmem>>
    %dma_wait3A_81 = tpu.memref_squeeze %dma_wait3A_80 : memref<1x128xi32, #tpu.memory_space<vmem>> -> memref<128xi32, #tpu.memory_space<vmem>>
    %dma_wait3A_82 = arith.constant 0 : i32
    %dma_wait3A_83 = arith.constant 0 : i32
    %dma_wait3A_84 = tpu.memref_slice %arg2[%dma_wait3A_82, %dma_wait3A_83] : memref<100000x128xf32, #tpu.memory_space<hbm>> -> memref<100000x128xf32, #tpu.memory_space<hbm>>
    tpu.wait_indirect_dma semaphore(%arg7 : memref<!tpu.dma_semaphore, #tpu.memory_space<semaphore_mem>>) src(%dma_wait3A_84 : memref<100000x128xf32, #tpu.memory_space<hbm>>) dst(%dma_wait3A_78 : memref<128x128xf32, #tpu.memory_space<vmem>>)
    %dma_wait3A_85 = arith.constant 3 : i32
    %dma_wait3A_86 = arith.constant 3 : i32
    %dma_wait3A_87 = arith.constant 0 : i32
    %dma_wait3A_88 = arith.constant 0 : i32
    %dma_wait3A_89 = tpu.memref_slice %arg6[%dma_wait3A_86, %dma_wait3A_87, %dma_wait3A_88] : memref<4x128x128xf32, #tpu.memory_space<vmem>> -> memref<1x128x128xf32, #tpu.memory_space<vmem>>
    %dma_wait3A_90 = tpu.memref_squeeze %dma_wait3A_89 : memref<1x128x128xf32, #tpu.memory_space<vmem>> -> memref<128x128xf32, #tpu.memory_space<vmem>>
    %dma_wait3A_91 = arith.constant 0 : i32
    %dma_wait3A_92 = tpu.memref_slice %arg5[%dma_wait3A_85, %dma_wait3A_91] : memref<4x128xi32, #tpu.memory_space<vmem>> -> memref<1x128xi32, #tpu.memory_space<vmem>>
    %dma_wait3A_93 = tpu.memref_squeeze %dma_wait3A_92 : memref<1x128xi32, #tpu.memory_space<vmem>> -> memref<128xi32, #tpu.memory_space<vmem>>
    %dma_wait3A_94 = arith.constant 0 : i32
    %dma_wait3A_95 = arith.constant 0 : i32
    %dma_wait3A_96 = tpu.memref_slice %arg2[%dma_wait3A_94, %dma_wait3A_95] : memref<100000x128xf32, #tpu.memory_space<hbm>> -> memref<100000x128xf32, #tpu.memory_space<hbm>>
    tpu.wait_indirect_dma semaphore(%arg7 : memref<!tpu.dma_semaphore, #tpu.memory_space<semaphore_mem>>) src(%dma_wait3A_96 : memref<100000x128xf32, #tpu.memory_space<hbm>>) dst(%dma_wait3A_90 : memref<128x128xf32, #tpu.memory_space<vmem>>)
    "tpu.region"() ({
      %run_scoped3A = tpu.sem_alloc : memref<!tpu.dma_semaphore, #tpu.memory_space<semaphore_mem>>
      %dma_start3A_97 = arith.constant 0 : i32
      %dma_start3A_98 = arith.constant 0 : i32
      %dma_start3A_99 = tpu.memref_slice %arg4[%mul3A_2, %dma_start3A_97, %dma_start3A_98] : memref<128x128x128xf32, #tpu.memory_space<hbm>> -> memref<4x128x128xf32, #tpu.memory_space<hbm>>
      %dma_start3A_100 = arith.constant 0 : i32
      %dma_start3A_101 = arith.constant 0 : i32
      %dma_start3A_102 = tpu.memref_slice %arg4[%mul3A_2, %dma_start3A_100, %dma_start3A_101] : memref<128x128x128xf32, #tpu.memory_space<hbm>> -> memref<4x128x128xf32, #tpu.memory_space<hbm>>
      tpu.enqueue_dma source(%arg6 : memref<4x128x128xf32, #tpu.memory_space<vmem>>) target(%dma_start3A_102 : memref<4x128x128xf32, #tpu.memory_space<hbm>>) target_semaphore(%run_scoped3A : memref<!tpu.dma_semaphore, #tpu.memory_space<semaphore_mem>>)
      %dma_wait3A_103 = arith.constant 0 : i32
      %dma_wait3A_104 = arith.constant 0 : i32
      %dma_wait3A_105 = tpu.memref_slice %arg4[%mul3A_2, %dma_wait3A_103, %dma_wait3A_104] : memref<128x128x128xf32, #tpu.memory_space<hbm>> -> memref<4x128x128xf32, #tpu.memory_space<hbm>>
      %dma_wait3A_106 = arith.constant 0 : i32
      %dma_wait3A_107 = arith.constant 0 : i32
      %dma_wait3A_108 = tpu.memref_slice %arg4[%mul3A_2, %dma_wait3A_106, %dma_wait3A_107] : memref<128x128x128xf32, #tpu.memory_space<hbm>> -> memref<4x128x128xf32, #tpu.memory_space<hbm>>
      tpu.wait_dma2 semaphore(%run_scoped3A : memref<!tpu.dma_semaphore, #tpu.memory_space<semaphore_mem>>) src(%arg6 : memref<4x128x128xf32, #tpu.memory_space<vmem>>) dst(%dma_wait3A_108 : memref<4x128x128xf32, #tpu.memory_space<hbm>>)
      tpu.yield
    }) : () -> ()
    return
  }
}

module attributes {stable_mosaic.version = 14 : i64} {
  func.func @_counts_body(%arg0: i32, %arg1: memref<1024x1xf32, #tpu.memory_space<vmem>>, %arg2: memref<1x1x2048xf32, #tpu.memory_space<vmem>>, %arg3: memref<1024x1xf32, #tpu.memory_space<vmem>>) attributes {dimension_semantics = [#tpu.dimension_semantics<arbitrary>], iteration_bounds = array<i64: 49>, scalar_prefetch = 0 : i64, scratch_operands = 0 : i64, tpu.core_type = #tpu.core_type<tc>, window_params = [{pipeline_mode = #tpu.pipeline_mode<synchronous>, transform_indices = @transform_0, window_bounds = array<i64: 1024, 1>}, {transform_indices = @transform_1, window_bounds = array<i64: 1, 1, 2048>}, {pipeline_mode = #tpu.pipeline_mode<synchronous>, transform_indices = @transform_2, window_bounds = array<i64: 1024, 1>}]} {
    %eq3A = arith.constant 0 : i32
    %eq3A_0 = arith.cmpi eq, %arg0, %eq3A : i32
    %convert_element_type3A = arith.extui %eq3A_0 : i1 to i32
    %cond3A = arith.constant 0 : i32
    %cond3A_1 = arith.cmpi ne, %convert_element_type3A, %cond3A : i32
    scf.if %cond3A_1 {
      %broadcast_in_dim3A_22 = arith.constant 0.000000e+00 : f32
      %broadcast_in_dim3A_23 = vector.broadcast %broadcast_in_dim3A_22 : f32 to vector<1024x1xf32>
      %swap3A_24 = arith.constant 0 : index
      %swap3A_25 = arith.constant 0 : index
      %swap3A_26 = vector.load %arg3[%swap3A_24, %swap3A_25] : memref<1024x1xf32, #tpu.memory_space<vmem>>, vector<1024x1xf32>
      tpu.vector_store %arg3[%swap3A_24, %swap3A_25], %broadcast_in_dim3A_23 {strides = array<i32>} : memref<1024x1xf32, #tpu.memory_space<vmem>>, vector<1024x1xf32>,
    } else {
    }
    %get3A = arith.constant 0 : index
    %get3A_2 = arith.constant 0 : index
    %get3A_3 = arith.constant 0 : index
    %get3A_4 = vector.load %arg2[%get3A, %get3A_2, %get3A_3] : memref<1x1x2048xf32, #tpu.memory_space<vmem>>, vector<1x1x2048xf32>
    %get3A_5 = vector.shape_cast %get3A_4 : vector<1x1x2048xf32> to vector<2048xf32>
    %get3A_6 = arith.constant 0 : index
    %get3A_7 = arith.constant 0 : index
    %get3A_8 = vector.load %arg1[%get3A_6, %get3A_7] : memref<1024x1xf32, #tpu.memory_space<vmem>>, vector<1024x1xf32>
    %broadcast_in_dim3A = vector.shape_cast %get3A_5 : vector<2048xf32> to vector<1x2048xf32>
    %sub3A = vector.broadcast %get3A_8 : vector<1024x1xf32> to vector<1024x2048xf32>
    %sub3A_9 = vector.broadcast %broadcast_in_dim3A : vector<1x2048xf32> to vector<1024x2048xf32>
    %sub3A_10 = arith.subf %sub3A, %sub3A_9 : vector<1024x2048xf32>
    %abs3A = math.absf %sub3A_10 : vector<1024x2048xf32>
    %le3A = arith.constant 5.000000e-02 : f32
    %le3A_11 = vector.broadcast %le3A : f32 to vector<1024x2048xf32>
    %le3A_12 = arith.cmpf ole, %abs3A, %le3A_11 : vector<1024x2048xf32>
    %get3A_13 = arith.constant 0 : index
    %get3A_14 = arith.constant 0 : index
    %get3A_15 = vector.load %arg3[%get3A_13, %get3A_14] : memref<1024x1xf32, #tpu.memory_space<vmem>>, vector<1024x1xf32>
    %convert_element_type3A_16 = arith.extui %le3A_12 : vector<1024x2048xi1> to vector<1024x2048xi32>
    %convert_element_type3A_17 = arith.sitofp %convert_element_type3A_16 : vector<1024x2048xi32> to vector<1024x2048xf32>
    %reduce_sum3A = arith.constant dense<0.000000e+00> : vector<1024xf32>
    %reduce_sum3A_18 = vector.multi_reduction <add>, %convert_element_type3A_17, %reduce_sum3A [1] : vector<1024x2048xf32> to vector<1024xf32>
    %broadcast_in_dim3A_19 = vector.shape_cast %reduce_sum3A_18 : vector<1024xf32> to vector<1024x1xf32>
    %add3A = arith.addf %get3A_15, %broadcast_in_dim3A_19 : vector<1024x1xf32>
    %swap3A = arith.constant 0 : index
    %swap3A_20 = arith.constant 0 : index
    %swap3A_21 = vector.load %arg3[%swap3A, %swap3A_20] : memref<1024x1xf32, #tpu.memory_space<vmem>>, vector<1024x1xf32>
    tpu.vector_store %arg3[%swap3A, %swap3A_20], %add3A {strides = array<i32>} : memref<1024x1xf32, #tpu.memory_space<vmem>>, vector<1024x1xf32>,
    return
  }
  func.func @transform_0(%arg0: i32) -> (i32, i32) {
    %c0_i32 = arith.constant 0 : i32
    %c0_i32_0 = arith.constant 0 : i32
    %c0_i32_1 = arith.constant 0 : i32
    return %c0_i32, %c0_i32_0 : i32, i32
  }
  func.func @transform_1(%arg0: i32) -> (i32, i32, i32) {
    %c0_i32 = arith.constant 0 : i32
    %c0_i32_0 = arith.constant 0 : i32
    %c0_i32_1 = arith.constant 0 : i32
    return %arg0, %c0_i32, %c0_i32_0 : i32, i32, i32
  }
  func.func @transform_2(%arg0: i32) -> (i32, i32) {
    %c0_i32 = arith.constant 0 : i32
    %c0_i32_0 = arith.constant 0 : i32
    %c0_i32_1 = arith.constant 0 : i32
    return %c0_i32, %c0_i32_0 : i32, i32
  }
}

module attributes {stable_mosaic.version = 14 : i64} {
  func.func @_topk_body(%arg0: i32, %arg1: memref<1024x1xf32, #tpu.memory_space<vmem>>, %arg2: memref<1024x1xf32, #tpu.memory_space<vmem>>, %arg3: memref<1024x128xf32, #tpu.memory_space<vmem>>, %arg4: memref<2048x128xf32, #tpu.memory_space<vmem>>, %arg5: memref<1x1x2048xf32, #tpu.memory_space<vmem>>, %arg6: memref<1024x16xi32, #tpu.memory_space<vmem>>, %arg7: memref<1024x2048xf32, #tpu.memory_space<vmem>>, %arg8: memref<1024x16xf32, #tpu.memory_space<vmem>>, %arg9: memref<1024x16xi32, #tpu.memory_space<vmem>>) attributes {dimension_semantics = [#tpu.dimension_semantics<arbitrary>], iteration_bounds = array<i64: 49>, scalar_prefetch = 0 : i64, scratch_operands = 3 : i64, tpu.core_type = #tpu.core_type<tc>, window_params = [{pipeline_mode = #tpu.pipeline_mode<synchronous>, transform_indices = @transform_0, window_bounds = array<i64: 1024, 1>}, {pipeline_mode = #tpu.pipeline_mode<synchronous>, transform_indices = @transform_1, window_bounds = array<i64: 1024, 1>}, {pipeline_mode = #tpu.pipeline_mode<synchronous>, transform_indices = @transform_2, window_bounds = array<i64: 1024, 128>}, {transform_indices = @transform_3, window_bounds = array<i64: 2048, 128>}, {transform_indices = @transform_4, window_bounds = array<i64: 1, 1, 2048>}, {pipeline_mode = #tpu.pipeline_mode<synchronous>, transform_indices = @transform_5, window_bounds = array<i64: 1024, 16>}]} {
    %eq3A = arith.constant 0 : i32
    %eq3A_0 = arith.cmpi eq, %arg0, %eq3A : i32
    %convert_element_type3A = arith.extui %eq3A_0 : i1 to i32
    %cond3A = arith.constant 0 : i32
    %cond3A_1 = arith.cmpi ne, %convert_element_type3A, %cond3A : i32
    scf.if %cond3A_1 {
      %broadcast_in_dim3A_53 = arith.constant -9.99999968E+37 : f32
      %broadcast_in_dim3A_54 = vector.broadcast %broadcast_in_dim3A_53 : f32 to vector<1024x16xf32>
      %swap3A_55 = arith.constant 0 : index
      %swap3A_56 = arith.constant 0 : index
      %swap3A_57 = vector.load %arg8[%swap3A_55, %swap3A_56] : memref<1024x16xf32, #tpu.memory_space<vmem>>, vector<1024x16xf32>
      tpu.vector_store %arg8[%swap3A_55, %swap3A_56], %broadcast_in_dim3A_54 {strides = array<i32>} : memref<1024x16xf32, #tpu.memory_space<vmem>>, vector<1024x16xf32>,
      %broadcast_in_dim3A_58 = arith.constant 0 : i32
      %broadcast_in_dim3A_59 = vector.broadcast %broadcast_in_dim3A_58 : i32 to vector<1024x16xi32>
      %swap3A_60 = arith.constant 0 : index
      %swap3A_61 = arith.constant 0 : index
      %swap3A_62 = vector.load %arg9[%swap3A_60, %swap3A_61] : memref<1024x16xi32, #tpu.memory_space<vmem>>, vector<1024x16xi32>
      tpu.vector_store %arg9[%swap3A_60, %swap3A_61], %broadcast_in_dim3A_59 {strides = array<i32>} : memref<1024x16xi32, #tpu.memory_space<vmem>>, vector<1024x16xi32>,
    } else {
    }
    %get3A = arith.constant 0 : index
    %get3A_2 = arith.constant 0 : index
    %get3A_3 = vector.load %arg3[%get3A, %get3A_2] : memref<1024x128xf32, #tpu.memory_space<vmem>>, vector<1024x128xf32>
    %get3A_4 = arith.constant 0 : index
    %get3A_5 = arith.constant 0 : index
    %get3A_6 = vector.load %arg4[%get3A_4, %get3A_5] : memref<2048x128xf32, #tpu.memory_space<vmem>>, vector<2048x128xf32>
    %dot_general3A = arith.constant dense<0.000000e+00> : vector<1024x2048xf32>
    %dot_general3A_7 = tpu.matmul %get3A_3, %get3A_6, %dot_general3A {dimension_numbers = #tpu.dot_dimension_numbers<[1], [1], [0], [0], [0, 0, 1, 0], [], []>, transpose_lhs_hint = false} : vector<1024x128xf32>, vector<2048x128xf32>, vector<1024x2048xf32> -> vector<1024x2048xf32>
    %get3A_8 = arith.constant 0 : index
    %get3A_9 = arith.constant 0 : index
    %get3A_10 = arith.constant 0 : index
    %get3A_11 = vector.load %arg5[%get3A_8, %get3A_9, %get3A_10] : memref<1x1x2048xf32, #tpu.memory_space<vmem>>, vector<1x1x2048xf32>
    %get3A_12 = vector.shape_cast %get3A_11 : vector<1x1x2048xf32> to vector<2048xf32>
    %get3A_13 = arith.constant 0 : index
    %get3A_14 = arith.constant 0 : index
    %get3A_15 = vector.load %arg1[%get3A_13, %get3A_14] : memref<1024x1xf32, #tpu.memory_space<vmem>>, vector<1024x1xf32>
    %broadcast_in_dim3A = vector.shape_cast %get3A_12 : vector<2048xf32> to vector<1x2048xf32>
    %sub3A = vector.broadcast %get3A_15 : vector<1024x1xf32> to vector<1024x2048xf32>
    %sub3A_16 = vector.broadcast %broadcast_in_dim3A : vector<1x2048xf32> to vector<1024x2048xf32>
    %sub3A_17 = arith.subf %sub3A, %sub3A_16 : vector<1024x2048xf32>
    %abs3A = math.absf %sub3A_17 : vector<1024x2048xf32>
    %get3A_18 = arith.constant 0 : index
    %get3A_19 = arith.constant 0 : index
    %get3A_20 = vector.load %arg2[%get3A_18, %get3A_19] : memref<1024x1xf32, #tpu.memory_space<vmem>>, vector<1024x1xf32>
    %le3A = vector.broadcast %get3A_20 : vector<1024x1xf32> to vector<1024x2048xf32>
    %le3A_21 = arith.cmpf ole, %abs3A, %le3A : vector<1024x2048xf32>
    %jit3A = arith.constant -1.000000e+30 : f32
    %broadcast_in_dim3A_22 = vector.broadcast %jit3A : f32 to vector<1024x2048xf32>
    %select_n3A = arith.select %le3A_21, %dot_general3A_7, %broadcast_in_dim3A_22 : vector<1024x2048xi1>, vector<1024x2048xf32>
    %swap3A = arith.constant 0 : index
    %swap3A_23 = arith.constant 0 : index
    %swap3A_24 = vector.load %arg7[%swap3A, %swap3A_23] : memref<1024x2048xf32, #tpu.memory_space<vmem>>, vector<1024x2048xf32>
    tpu.vector_store %arg7[%swap3A, %swap3A_23], %select_n3A {strides = array<i32>} : memref<1024x2048xf32, #tpu.memory_space<vmem>>, vector<1024x2048xf32>,
    %iota3A = tpu.iota {dimensions = array<i32: 1>} : vector<1024x2048xi32>
    %iota3A_25 = tpu.iota {dimensions = array<i32: 1>} : vector<1024x16xi32>
    %reduce_max3A = arith.constant dense<0xFF800000> : vector<1024xf32>
    %reduce_max3A_26 = vector.multi_reduction <maximumf>, %select_n3A, %reduce_max3A [1] : vector<1024x2048xf32> to vector<1024xf32>
    %broadcast_in_dim3A_27 = vector.shape_cast %reduce_max3A_26 : vector<1024xf32> to vector<1024x1xf32>
    %eq3A_28 = vector.broadcast %broadcast_in_dim3A_27 : vector<1024x1xf32> to vector<1024x2048xf32>
    %eq3A_29 = arith.cmpf oeq, %select_n3A, %eq3A_28 : vector<1024x2048xf32>
    %jit3A_30 = arith.constant 2048 : i32
    %broadcast_in_dim3A_31 = vector.broadcast %jit3A_30 : i32 to vector<1024x2048xi32>
    %select_n3A_32 = arith.select %eq3A_29, %iota3A, %broadcast_in_dim3A_31 : vector<1024x2048xi1>, vector<1024x2048xi32>
    %reduce_min3A = arith.constant dense<2147483647> : vector<1024xi32>
    %reduce_min3A_33 = vector.multi_reduction <minsi>, %select_n3A_32, %reduce_min3A [1] : vector<1024x2048xi32> to vector<1024xi32>
    %broadcast_in_dim3A_34 = vector.shape_cast %reduce_min3A_33 : vector<1024xi32> to vector<1024x1xi32>
    %mul3A = arith.constant 2048 : i32
    %mul3A_35 = arith.muli %arg0, %mul3A : i32
    %get3A_36 = arith.constant 0 : index
    %get3A_37 = arith.constant 0 : index
    %get3A_38 = vector.load %arg8[%get3A_36, %get3A_37] : memref<1024x16xf32, #tpu.memory_space<vmem>>, vector<1024x16xf32>
    %get3A_39 = arith.constant 0 : index
    %get3A_40 = arith.constant 0 : index
    %get3A_41 = vector.load %arg9[%get3A_39, %get3A_40] : memref<1024x16xi32, #tpu.memory_space<vmem>>, vector<1024x16xi32>
    %while3A:4 = scf.while (%while3A_53 = %get3A_38, %while3A_54 = %get3A_41, %while3A_55 = %broadcast_in_dim3A_27, %while3A_56 = %broadcast_in_dim3A_34) : (vector<1024x16xf32>, vector<1024x16xi32>, vector<1024x1xf32>, vector<1024x1xi32>) -> (vector<1024x16xf32>, vector<1024x16xi32>, vector<1024x1xf32>, vector<1024x1xi32>) {
      %slice3A = vector.extract_strided_slice %while3A_53 {offsets = [0, 15], sizes = [1024, 1], strides = [1, 1]} : vector<1024x16xf32> to vector<1024x1xf32>
      %gt3A = arith.cmpf ogt, %while3A_55, %slice3A : vector<1024x1xf32>
      %reduce_or3A = arith.constant 1.000000e+00 : f32
      %reduce_or3A_57 = arith.constant 0.000000e+00 : f32
      %reduce_or3A_58 = vector.broadcast %reduce_or3A : f32 to vector<1024x1xf32>
      %reduce_or3A_59 = vector.broadcast %reduce_or3A_57 : f32 to vector<1024x1xf32>
      %reduce_or3A_60 = arith.select %gt3A, %reduce_or3A_58, %reduce_or3A_59 : vector<1024x1xi1>, vector<1024x1xf32>
      %reduce_or3A_61 = vector.shape_cast %reduce_or3A_60 : vector<1024x1xf32> to vector<1x1024x1xf32>
      %reduce_or3A_62 = arith.constant dense<0xFF800000> : vector<1xf32>
      %reduce_or3A_63 = vector.multi_reduction <maximumf>, %reduce_or3A_61, %reduce_or3A_62 [1, 2] : vector<1x1024x1xf32> to vector<1xf32>
      %reduce_or3A_64 = vector.shape_cast %reduce_or3A_63 : vector<1xf32> to vector<1x1x1xf32>
      %reduce_or3A_65 = vector.extract %reduce_or3A_64[0, 0, 0] : f32 from vector<1x1x1xf32>
      %reduce_or3A_66 = arith.constant 0.000000e+00 : f32
      %reduce_or3A_67 = arith.cmpf ogt, %reduce_or3A_65, %reduce_or3A_66 : f32
      scf.condition(%reduce_or3A_67) %while3A_53, %while3A_54, %while3A_55, %while3A_56 : vector<1024x16xf32>, vector<1024x16xi32>, vector<1024x1xf32>, vector<1024x1xi32>
    } do {
    ^bb0(%while3A_53: vector<1024x16xf32>, %while3A_54: vector<1024x16xi32>, %while3A_55: vector<1024x1xf32>, %while3A_56: vector<1024x1xi32>):
      %add3A = vector.broadcast %mul3A_35 : i32 to vector<1024x1xi32>
      %add3A_57 = arith.addi %add3A, %while3A_56 : vector<1024x1xi32>
      %ge3A = vector.broadcast %while3A_55 : vector<1024x1xf32> to vector<1024x16xf32>
      %ge3A_58 = arith.cmpf oge, %while3A_53, %ge3A : vector<1024x16xf32>
      %convert_element_type3A_59 = arith.extui %ge3A_58 : vector<1024x16xi1> to vector<1024x16xi32>
      %reduce_sum3A = arith.constant dense<0> : vector<1024xi32>
      %reduce_sum3A_60 = vector.multi_reduction <add>, %convert_element_type3A_59, %reduce_sum3A [1] : vector<1024x16xi32> to vector<1024xi32>
      %broadcast_in_dim3A_61 = vector.shape_cast %reduce_sum3A_60 : vector<1024xi32> to vector<1024x1xi32>
      %slice3A = vector.extract_strided_slice %while3A_53 {offsets = [0, 0], sizes = [1024, 1], strides = [1, 1]} : vector<1024x16xf32> to vector<1024x1xf32>
      %slice3A_62 = vector.extract_strided_slice %while3A_53 {offsets = [0, 0], sizes = [1024, 15], strides = [1, 1]} : vector<1024x16xf32> to vector<1024x15xf32>
      %concatenate3A = tpu.concatenate %slice3A, %slice3A_62 in 1 : vector<1024x1xf32>, vector<1024x15xf32> -> vector<1024x16xf32>
      %slice3A_63 = vector.extract_strided_slice %while3A_54 {offsets = [0, 0], sizes = [1024, 1], strides = [1, 1]} : vector<1024x16xi32> to vector<1024x1xi32>
      %slice3A_64 = vector.extract_strided_slice %while3A_54 {offsets = [0, 0], sizes = [1024, 15], strides = [1, 1]} : vector<1024x16xi32> to vector<1024x15xi32>
      %concatenate3A_65 = tpu.concatenate %slice3A_63, %slice3A_64 in 1 : vector<1024x1xi32>, vector<1024x15xi32> -> vector<1024x16xi32>
      %lt3A = vector.broadcast %broadcast_in_dim3A_61 : vector<1024x1xi32> to vector<1024x16xi32>
      %lt3A_66 = arith.cmpi slt, %iota3A_25, %lt3A : vector<1024x16xi32>
      %eq3A_67 = vector.broadcast %broadcast_in_dim3A_61 : vector<1024x1xi32> to vector<1024x16xi32>
      %eq3A_68 = arith.cmpi eq, %iota3A_25, %eq3A_67 : vector<1024x16xi32>
      %broadcast_in_dim3A_69 = vector.shape_cast %while3A_55 : vector<1024x1xf32> to vector<1024x1xf32>
      %broadcast_in_dim3A_70 = vector.broadcast %broadcast_in_dim3A_69 : vector<1024x1xf32> to vector<1024x16xf32>
      %select_n3A_71 = arith.select %eq3A_68, %broadcast_in_dim3A_70, %concatenate3A : vector<1024x16xi1>, vector<1024x16xf32>
      %select_n3A_72 = arith.select %lt3A_66, %while3A_53, %select_n3A_71 : vector<1024x16xi1>, vector<1024x16xf32>
      %lt3A_73 = vector.broadcast %broadcast_in_dim3A_61 : vector<1024x1xi32> to vector<1024x16xi32>
      %lt3A_74 = arith.cmpi slt, %iota3A_25, %lt3A_73 : vector<1024x16xi32>
      %eq3A_75 = vector.broadcast %broadcast_in_dim3A_61 : vector<1024x1xi32> to vector<1024x16xi32>
      %eq3A_76 = arith.cmpi eq, %iota3A_25, %eq3A_75 : vector<1024x16xi32>
      %broadcast_in_dim3A_77 = vector.shape_cast %add3A_57 : vector<1024x1xi32> to vector<1024x1xi32>
      %broadcast_in_dim3A_78 = vector.broadcast %broadcast_in_dim3A_77 : vector<1024x1xi32> to vector<1024x16xi32>
      %select_n3A_79 = arith.select %eq3A_76, %broadcast_in_dim3A_78, %concatenate3A_65 : vector<1024x16xi1>, vector<1024x16xi32>
      %select_n3A_80 = arith.select %lt3A_74, %while3A_54, %select_n3A_79 : vector<1024x16xi1>, vector<1024x16xi32>
      %get3A_81 = arith.constant 0 : index
      %get3A_82 = arith.constant 0 : index
      %get3A_83 = vector.load %arg7[%get3A_81, %get3A_82] : memref<1024x2048xf32, #tpu.memory_space<vmem>>, vector<1024x2048xf32>
      %eq3A_84 = vector.broadcast %while3A_56 : vector<1024x1xi32> to vector<1024x2048xi32>
      %eq3A_85 = arith.cmpi eq, %iota3A, %eq3A_84 : vector<1024x2048xi32>
      %jit3A_86 = arith.constant -3.000000e+38 : f32
      %broadcast_in_dim3A_87 = vector.broadcast %jit3A_86 : f32 to vector<1024x2048xf32>
      %select_n3A_88 = arith.select %eq3A_85, %broadcast_in_dim3A_87, %get3A_83 : vector<1024x2048xi1>, vector<1024x2048xf32>
      %swap3A_89 = arith.constant 0 : index
      %swap3A_90 = arith.constant 0 : index
      %swap3A_91 = vector.load %arg7[%swap3A_89, %swap3A_90] : memref<1024x2048xf32, #tpu.memory_space<vmem>>, vector<1024x2048xf32>
      tpu.vector_store %arg7[%swap3A_89, %swap3A_90], %select_n3A_88 {strides = array<i32>} : memref<1024x2048xf32, #tpu.memory_space<vmem>>, vector<1024x2048xf32>,
      %reduce_max3A_92 = arith.constant dense<0xFF800000> : vector<1024xf32>
      %reduce_max3A_93 = vector.multi_reduction <maximumf>, %select_n3A_88, %reduce_max3A_92 [1] : vector<1024x2048xf32> to vector<1024xf32>
      %broadcast_in_dim3A_94 = vector.shape_cast %reduce_max3A_93 : vector<1024xf32> to vector<1024x1xf32>
      %eq3A_95 = vector.broadcast %broadcast_in_dim3A_94 : vector<1024x1xf32> to vector<1024x2048xf32>
      %eq3A_96 = arith.cmpf oeq, %select_n3A_88, %eq3A_95 : vector<1024x2048xf32>
      %jit3A_97 = arith.constant 2048 : i32
      %broadcast_in_dim3A_98 = vector.broadcast %jit3A_97 : i32 to vector<1024x2048xi32>
      %select_n3A_99 = arith.select %eq3A_96, %iota3A, %broadcast_in_dim3A_98 : vector<1024x2048xi1>, vector<1024x2048xi32>
      %reduce_min3A_100 = arith.constant dense<2147483647> : vector<1024xi32>
      %reduce_min3A_101 = vector.multi_reduction <minsi>, %select_n3A_99, %reduce_min3A_100 [1] : vector<1024x2048xi32> to vector<1024xi32>
      %broadcast_in_dim3A_102 = vector.shape_cast %reduce_min3A_101 : vector<1024xi32> to vector<1024x1xi32>
      scf.yield %select_n3A_72, %select_n3A_80, %broadcast_in_dim3A_94, %broadcast_in_dim3A_102 : vector<1024x16xf32>, vector<1024x16xi32>, vector<1024x1xf32>, vector<1024x1xi32>
    }
    %swap3A_42 = arith.constant 0 : index
    %swap3A_43 = arith.constant 0 : index
    %swap3A_44 = vector.load %arg8[%swap3A_42, %swap3A_43] : memref<1024x16xf32, #tpu.memory_space<vmem>>, vector<1024x16xf32>
    tpu.vector_store %arg8[%swap3A_42, %swap3A_43], %while3A#0 {strides = array<i32>} : memref<1024x16xf32, #tpu.memory_space<vmem>>, vector<1024x16xf32>,
    %swap3A_45 = arith.constant 0 : index
    %swap3A_46 = arith.constant 0 : index
    %swap3A_47 = vector.load %arg9[%swap3A_45, %swap3A_46] : memref<1024x16xi32, #tpu.memory_space<vmem>>, vector<1024x16xi32>
    tpu.vector_store %arg9[%swap3A_45, %swap3A_46], %while3A#1 {strides = array<i32>} : memref<1024x16xi32, #tpu.memory_space<vmem>>, vector<1024x16xi32>,
    %eq3A_48 = arith.constant 48 : i32
    %eq3A_49 = arith.cmpi eq, %arg0, %eq3A_48 : i32
    %convert_element_type3A_50 = arith.extui %eq3A_49 : i1 to i32
    %cond3A_51 = arith.constant 0 : i32
    %cond3A_52 = arith.cmpi ne, %convert_element_type3A_50, %cond3A_51 : i32
    scf.if %cond3A_52 {
      %swap3A_53 = arith.constant 0 : index
      %swap3A_54 = arith.constant 0 : index
      %swap3A_55 = vector.load %arg6[%swap3A_53, %swap3A_54] : memref<1024x16xi32, #tpu.memory_space<vmem>>, vector<1024x16xi32>
      tpu.vector_store %arg6[%swap3A_53, %swap3A_54], %while3A#1 {strides = array<i32>} : memref<1024x16xi32, #tpu.memory_space<vmem>>, vector<1024x16xi32>,
    } else {
    }
    return
  }
  func.func @transform_0(%arg0: i32) -> (i32, i32) {
    %c0_i32 = arith.constant 0 : i32
    %c0_i32_0 = arith.constant 0 : i32
    %c0_i32_1 = arith.constant 0 : i32
    return %c0_i32, %c0_i32_0 : i32, i32
  }
  func.func @transform_1(%arg0: i32) -> (i32, i32) {
    %c0_i32 = arith.constant 0 : i32
    %c0_i32_0 = arith.constant 0 : i32
    %c0_i32_1 = arith.constant 0 : i32
    return %c0_i32, %c0_i32_0 : i32, i32
  }
  func.func @transform_2(%arg0: i32) -> (i32, i32) {
    %c0_i32 = arith.constant 0 : i32
    %c0_i32_0 = arith.constant 0 : i32
    %c0_i32_1 = arith.constant 0 : i32
    return %c0_i32, %c0_i32_0 : i32, i32
  }
  func.func @transform_3(%arg0: i32) -> (i32, i32) {
    %c0_i32 = arith.constant 0 : i32
    %c0_i32_0 = arith.constant 0 : i32
    return %arg0, %c0_i32 : i32, i32
  }
  func.func @transform_4(%arg0: i32) -> (i32, i32, i32) {
    %c0_i32 = arith.constant 0 : i32
    %c0_i32_0 = arith.constant 0 : i32
    %c0_i32_1 = arith.constant 0 : i32
    return %arg0, %c0_i32, %c0_i32_0 : i32, i32, i32
  }
  func.func @transform_5(%arg0: i32) -> (i32, i32) {
    %c0_i32 = arith.constant 0 : i32
    %c0_i32_0 = arith.constant 0 : i32
    %c0_i32_1 = arith.constant 0 : i32
    return %c0_i32, %c0_i32_0 : i32, i32
  }
}

</mosaic_0001>

<sc_bundles>
// kernel: kernel.5.cloned.1.call-start
scs
__scs_entry_jumppad:
0x0: {  	(pc) =	sbr.rel $0x88, $3  }
0x1: {  	(tag) =	ssettag $0x0;
	lr =	simm.s32 $0x1  }
0x2: {  	[smem:$0x3F9C] =	sst lr;
	_ =	strace $0xD0000000  }
0x3: {  	_ = 	snop  }
0x4: {  	_ = 	snop  }
0x5: {  	_ = 	snop  }
0x6: {  	_ = 	snop  }
0x7: {  	_ = 	snop  }
__scs_overlays_trampoline_lowered:
0x8: {  	[smem:$0x3FAB] =	sst s0  }
0x9: {  	[smem:$0x3FAC] =	sst s1  }
0xa: {  	[smem:$0x3FAD] =	sst s2  }
0xb: {  	[smem:$0x3FAE] =	sst s3  }
0xc: {  	[smem:$0x3FAF] =	sst s4  }
0xd: {  	[smem:$0x3FB0] =	sst s5  }
0xe: {  	[smem:$0x3FB1] =	sst s6  }
0xf: {  	[smem:$0x3FB2] =	sst s7  }
0x10: {  	[smem:$0x3FB3] =	sst s8  }
0x11: {  	[smem:$0x3FB4] =	sst s9;
	s0 =	simm.s32 @!p0 $0x0  }
0x12: {  	s1 =	sld [smem:$0x3F9A];
	s0 =	simm.s32 @p0 $0x1  }
0x13: {  	[smem:$0x3FB5] =	sst s0;
	s0 =	simm.s32 @!p1 $0x0  }
0x14: {  	s2 =	sld [smem:$0x3F99];
	s0 =	simm.s32 @p1 $0x1  }
0x15: {  	[smem:$0x3FB6] =	sst s0;
	s0 =	simm.s32 @!p2 $0x0  }
0x16: {  	s3 =	sld [smem:$0x3FDB];
	s0 =	simm.s32 @p2 $0x1  }
0x17: {  	s4 =	simm.s32 $0x1BF5;
	[smem:$0x3FB8] =	sst s0  }
0x18: {  	s0 =	sld [smem:$0x3F9B];
	_ =	swait.ge [sflag:s4], $0x0  }
0x19: {  	s7 =	sld [smem:$0x3F9C]  }
0x1a: {  	s8 =	sadd.s32 $0xFFFFE003, lr  }
0x1b: {  	s9 =	sadd.s32 $0xFFFFFEF7, lr;
	s5 =	simm.s32 $0xFFFFFFFF;
	p2 =	slt.u32 s8, $0xFFFFF086  }
0x1c: {  	p1 =	slt.u32 s9, $0xF7A;
	s5 =	simm.s32 @!p2 $0x0  }
0x1d: {  	s5 =	simm.s32 @p1 $0x1;
	p0 =	seq.s32 s7, s2  }
0x1e: {  	s7 =	smul.u32 @!p0 $0xF7A, s2;
	p2 =	seq.s32 @!p0 s5, $0x0  }
0x1f: {  	s9 =	smul.u32 $0xF7A, s1;
	s8 =	simm.s32 @!p0 $0x1BF5;
	p2 =	por !p2, p0  }
0x20: {  	[sflag:s8] =	ssyncset.s32 @!p0 $0xFFFFF086;
	s6 =	sadd.s32 @!p0 s3, s7;
	s7 =	simm.s32 @!p0 $0x108  }
0x21: {  	s3 =	sadd.s32 s3, s9;
	s6 =	sadd.s32 @!p0 $0x88, s6;
	s7 =	simm.s32 @p2 $0x1082  }
0x22: {  	[simem:s7], [sflag:s8] =	dma.local @!p0 [hbm:s6], $0xF7A  }
0x23: {  	s9 =	sor.u32 $0xD0000000, s2;
	s6 =	simm.s32 $0x108;
	_ =	swait.ge @!p0 [sflag:s8], $0x0  }
0x24: {  	s3 =	sadd.s32 $0x88, s3;
	s6 =	simm.s32 @!p1 $0x1082;
	[sflag:s4] =	ssyncset.s32 $0xFFFFF086  }
0x25: {  	[simem:s6], [sflag:s4] =	dma.local [hbm:s3], $0xF7A  }
0x26: {  	[smem:$0x3F9C] =	sst s1;
	(tag) =	ssettag s2;
	_ =	strace s9  }
0x27: {  	s1 =	sld [smem:$0x3FAC]  }
0x28: {  	s2 =	sld [smem:$0x3FAD]  }
0x29: {  	s4 =	sld [smem:$0x3FAF]  }
0x2a: {  	p0 =	seq.s32 s5, $0x0;
	s5 =	sld [smem:$0x3FB0]  }
0x2b: {  	s6 =	sld [smem:$0x3FB1]  }
0x2c: {  	s7 =	sld [smem:$0x3FB2]  }
0x2d: {  	s3 =	simm.s32 $0x108;
	s8 =	sld [smem:$0x3FB3]  }
0x2e: {  	s3 =	simm.s32 @!p0 $0x1082;
	s9 =	sld [smem:$0x3FB4]  }
0x2f: {  	lr =	sadd.s32 s0, s3;
	s0 =	sld [smem:$0x3FAB]  }
0x30: {  	s3 =	sld [smem:$0x3FAE]  }
0x31: {  	[smem:$0x3FB7] =	sst s10  }
0x32: {  	s10 =	sld [smem:$0x3FB5];
	_ =	sdelay $0x3  }
0x33: {  	p0 =	seq.s32 s10, $0x1;
	s10 =	sld [smem:$0x3FB7];
	_ =	sdelay $0x3  }
0x34: {  	[smem:$0x3FB7] =	sst s10  }
0x35: {  	s10 =	sld [smem:$0x3FB6];
	_ =	sdelay $0x3  }
0x36: {  	p1 =	seq.s32 s10, $0x1;
	s10 =	sld [smem:$0x3FB7];
	_ =	sdelay $0x3  }
0x37: {  	[smem:$0x3FB7] =	sst s10  }
0x38: {  	s10 =	sld [smem:$0x3FB8]  }
0x39: {  	_ = 	snop;
	(pc) =	sbr.ind lr, $3  }
0x3a: {  	_ = 	snop  }
0x3b: {  	_ = 	snop  }
0x3c: {  	p2 =	seq.s32 s10, $0x1;
	s10 =	sld [smem:$0x3FB7]  }
0x3d: {  	_ =	shalt  }
0x3e: {  	_ =	shalt  }
0x3f: {  	_ =	shalt  }
0x40: {  	_ =	shalt  }
0x41: {  	_ =	shalt  }
0x42: {  	_ =	shalt  }
0x43: {  	_ =	shalt  }
0x44: {  	_ =	shalt  }
0x45: {  	_ =	shalt  }
0x46: {  	_ =	shalt  }
0x47: {  	_ =	shalt  }
0x48: {  	_ =	shalt  }
0x49: {  	_ =	shalt  }
0x4a: {  	_ =	shalt  }
0x4b: {  	_ =	shalt  }
0x4c: {  	_ =	shalt  }
0x4d: {  	_ =	shalt  }
0x4e: {  	_ =	shalt  }
0x4f: {  	_ =	shalt  }
0x50: {  	_ =	shalt  }
0x51: {  	_ =	shalt  }
0x52: {  	_ =	shalt  }
0x53: {  	_ =	shalt  }
0x54: {  	_ =	shalt  }
0x55: {  	_ =	shalt  }
0x56: {  	_ =	shalt  }
0x57: {  	_ =	shalt  }
0x58: {  	_ =	shalt  }
0x59: {  	_ =	shalt  }
0x5a: {  	_ =	shalt  }
0x5b: {  	_ =	shalt  }
0x5c: {  	_ =	shalt  }
0x5d: {  	_ =	shalt  }
0x5e: {  	_ =	shalt  }
0x5f: {  	_ =	shalt  }
0x60: {  	_ =	shalt  }
0x61: {  	_ =	shalt  }
0x62: {  	_ =	shalt  }
0x63: {  	_ =	shalt  }
0x64: {  	_ =	shalt  }
0x65: {  	_ =	shalt  }
0x66: {  	_ =	shalt  }
0x67: {  	_ =	shalt  }
0x68: {  	_ =	shalt  }
0x69: {  	_ =	shalt  }
0x6a: {  	_ =	shalt  }
0x6b: {  	_ =	shalt  }
0x6c: {  	_ =	shalt  }
0x6d: {  	_ =	shalt  }
0x6e: {  	_ =	shalt  }
0x6f: {  	_ =	shalt  }
0x70: {  	_ =	shalt  }
0x71: {  	_ =	shalt  }
0x72: {  	_ =	shalt  }
0x73: {  	_ =	shalt  }
0x74: {  	_ =	shalt  }
0x75: {  	_ =	shalt  }
0x76: {  	_ =	shalt  }
0x77: {  	_ =	shalt  }
0x78: {  	_ =	shalt  }
0x79: {  	_ =	shalt  }
0x7a: {  	_ =	shalt  }
0x7b: {  	_ =	shalt  }
0x7c: {  	_ =	shalt  }
0x7d: {  	_ =	shalt  }
0x7e: {  	_ =	shalt  }
0x7f: {  	_ =	shalt  }
0x80: {  	_ =	shalt  }
0x81: {  	_ =	shalt  }
0x82: {  	_ =	shalt  }
0x83: {  	_ =	shalt  }
0x84: {  	_ =	shalt  }
0x85: {  	_ =	shalt  }
0x86: {  	_ =	shalt  }
0x87: {  	_ =	shalt  }
.Lfunc_end0:
.L_simem_size_0:
called_computation_lowered:
.L_overlay_start_0:
0x88: {  	s2 =	sld [smem:$0x3FD9]  }
0x89: {  	s3 =	sld [smem:$0x3FFE];
	_ =	sdelay $0x1  }
0x8a: {  	s1 =	srdreg.scid  }
0x8b: {  	s0 =	sand.u32 $0x1, s1  }
0x8c: {  	s14 =	sshll.u32 s0, $0xA;
	s2 =	sadd.s32 s3, s2  }
0x8d: {  	s2 =	sadd.s32 s2, s14  }
0x8e: {  	[smem:$0x3FC3] =	sst s2  }
0x8f: {  	_ = 	snop  }
0x90: {  	s2 =	sld [smem:$0x3FD0];
	_ =	sdelay $0x2  }
0x91: {  	s4 =	simm.s32 $0xA;
	s5 =	simm.s32 $0x10;
	s15 =	sld [smem:$0x3FC8]  }
0x92: {  	[smem:s5], [sflag:s4] =	dma.local [hbm:s2], $0x1  }
0x93: {  	_ =	swait.eq [sflag:s4], $0x1  }
0x94: {  	[sflag:s4] =	ssyncset.done $0x0  }
0x95: {  	[sflag:s4] =	ssyncadd.s32 $0xFFFFFFFF  }
0x96: {  	s16 =	sld [smem:$0x10];
	(tm) =	ssettm $0x1  }
0x97: {  	s17 =	sld [smem:$0x3FFB];
	_ =	sdelay $0x3  }
0x98: {  	_ =	strace s17  }
0x99: {  	s4 =	sld [smem:$0x3FFC];
	_ =	sdelay $0x3  }
0x9a: {  	_ =	strace s4  }
0x9b: {  	s4 =	sld [smem:$0x3FFD];
	_ =	sdelay $0x3  }
0x9c: {  	_ =	strace s4  }
0x9d: {  	_ =	strace $0x8FFFFFFF  }
0x9e: {  	s18 =	sld [smem:$0x3FDB];
	_ =	sdelay $0x1  }
0x9f: {  	s19 =	simm.s32 $_scs_section_size  }
0xa0: {  	s6 =	simm.s32 $_size__tile_overlayer_lowered;
	s7 =	simm.s32 $_tile_overlayer_lowered  }
0xa1: {  	s22 =	simm.s32 $0x1BFF;
	s21 =	sshll.u32 s7, $0x1;
	s4 =	sadd.s32 s19, s18  }
0xa2: {  	s8 =	simm.s32 $0x0;
	s20 =	sshll.u32 s6, $0x1;
	s6 =	sadd.s32 s21, s4  }
0xa3: {  	[timem:s8], [sflag:s22] =	dma.local [hbm:s6], s20  }
0xa4: {  	_ =	swait.ge [sflag:s22], s20  }
0xa5: {  	s5 =	ssub.s32 $0x0, s20;
	[sflag:s22] =	ssyncset.done $0x0  }
0xa6: {  	[sflag:s22] =	ssyncadd.s32 s5;
	_ =	sdelay $0x1  }
0xa7: {  	s23 =	simm.s32 $0x1B8B  }
0xa8: {  	_ =	swait.ge [sflag:s23], $0x1  }
0xa9: {  	[sflag:s23] =	ssyncset.done $0x0  }
0xaa: {  	s25 =	simm.s32 $0x1B8E;
	s24 =	sld [smem:$0x3FFE];
	[sflag:s23] =	ssyncadd.s32 $0xFFFFFFFF  }
0xab: {  	s26 =	simm.s32 $execute0_lowered;
	[smem:$0x3FD2] =	sst s25  }
0xac: {  	s6 =	sshll.u32 s26, $0x1;
	_ =	strace $0x80000046;
	[dreg:$0x1] =	wrdreg $0xFFFFFFFF  }
0xad: {  	s28 =	simm.s32 $_size_execute0_lowered;
	s4 =	sadd.s32 s4, s6;
	[dreg:$0x0] =	wrdreg $0x0  }
0xae: {  	s6 =	sshll.u32 s28, $0x1;
	[dreg:$0x2] =	wrdreg s4  }
0xaf: {  	[dreg:$0x3] =	wrdreg s6  }
0xb0: {  	[dreg:$0x4] =	wrdreg $0xC0  }
0xb1: {  	_ =	task [dreg:s8], $0x5FFFF  }
0xb2: {  	[dreg:$0x1] =	wrdreg $0xFFFFFFFF  }
0xb3: {  	[dreg:$0x0] =	wrdreg $0x60  }
0xb4: {  	[dreg:$0x2] =	wrdreg s15  }
0xb5: {  	[dreg:$0x3] =	wrdreg s24  }
0xb6: {  	[dreg:$0x4] =	wrdreg s16  }
0xb7: {  	[dreg:$0x5] =	wrdreg $0x9  }
0xb8: {  	_ =	task.clear_ibuf [dreg:s8], $0x6FFFF;
	_ =	strace $0x90000046  }
0xb9: {  	s29 =	simm.s32 $0x9;
	_ =	strace $0x80000048  }
0xba: {  	_ =	swait.ge [sflag:s29], $0x1  }
0xbb: {  	[sflag:s29] =	ssyncadd.s32 $0xFFFFFFFF  }
0xbc: {  	_ =	strace $0x90000048  }
0xbd: {  	_ =	sfence  }
0xbe: {  	s30 =	sld [smem:$0x0];
	_ =	sdelay $0x2  }
0xbf: {  	s31 =	sshll.u32 s1, $0xD;
	s1 =	sshrl.u32 s1, $0x2  }
0xc0: {  	s3 =	sand.u32 $0x4000, s31;
	s1 =	sadd.s32 s1, s30  }
0xc1: {  	s0 =	sor.u32 s3, s0;
	s1 =	sshll.u32 s1, $0x11  }
0xc2: {  	s0 =	sor.u32 s1, s0  }
0xc3: {  	s0 =	sadd.s32 $0x8F2B, s0  }
0xc4: {  	[sflag:s0] =	ssyncadd.remote.s32 $0x1  }
0xc5: {  	_ =	sfence.sel $0xFFFF  }
0xc6: {  	[dreg:$0x0] =	wrdreg $0xFFFFFFFF;
	(pc) =	sbr.abs _section_cstart, $3  }
0xc7: {  	[dreg:$0x1] =	wrdreg $0xFFFFFFFF  }
0xc8: {  	_ =	task.clear_ibuf [dreg:s8], $0x2FFFF;
	_ =	strace $0x9FFFFFFF  }
0xc9: {  	(tm) =	ssettm $0x7FFFFFFF  }
tec
execute0_lowered:
.L_overlay_start_1:
0x0: {  	(tag) =	ssettag $0x1  }
0x1: {  	s1 =	rddreg [dreg:$0x0]  }
0x2: {  	s4 =	rddreg [dreg:$0x1];
	s0 =	srdreg.scid  }
0x3: {  	s14 =	rddreg [dreg:$0x2];
	s15 =	sand.u32 $0x1, s0  }
0x4: {  	s2 =	stileid.u32;
	s3 =	simm.s32 $0x0;
	s5 =	sshll.u32 s15, $0x6  }
0x5: {  	s0 =	rddreg [dreg:$0x3];
	s29 =	sshll.u32 s2, $0x7;
	s4 =	sadd.s32 s5, s4  }
0x6: {  	[smem:$0x7FF] =	sst s3;
	s4 =	sadd.s32 s29, s4  }
0x7: {  	_ =	strace $0x80000047;
	s5 =	sadd.s32 $0x600, s4;
	s4 =	simm.s32 $0x2  }
0x8: {  	[tilespmem:s3], [sflag:$0x2] =	stream.linear.gather [hbm4b:s5+s3], $0x200, $0x38;
	[tilespmem:$0x10200] =	vst v63  }
0x9: {  	_ =	swait.ge [sflag:s4], $0x200  }
0xa: {  	[sflag:s4] =	ssyncset.done $0x0  }
0xb: {  	s6 =	simm.s32 $0x80;
	s7 =	simm.s32 $0x200;
	[sflag:s4] =	ssyncadd.s32 $0xFFFFFE00  }
0xc: {  	[tilespmem:s7], [sflag:$0x1] =	stream.indirect.gather [hbm4b:s1+s6], $0x80, s3, s6, $0xb8;
	[tilespmem:$0x10200] =	vst v63  }
0xd: {  	s8 =	simm.s32 $0x4200  }
0xe: {  	[tilespmem:s8], [sflag:$0x1] =	stream.indirect.gather [hbm4b:s1+s6], $0x80, s6, s6, $0xb8;
	[tilespmem:$0x10200] =	vst v63  }
0xf: {  	s9 =	simm.s32 $0x100;
	s10 =	simm.s32 $0x8200  }
0x10: {  	[tilespmem:s10], [sflag:$0x1] =	stream.indirect.gather [hbm4b:s1+s6], $0x80, s9, s6, $0xb8;
	[tilespmem:$0x10200] =	vst v63  }
0x11: {  	s11 =	simm.s32 $0x180;
	s12 =	simm.s32 $0xC200;
	s13 =	simm.s32 $0x1  }
0x12: {  	[tilespmem:s12], [sflag:$0x1] =	stream.indirect.gather [hbm4b:s1+s6], $0x80, s11, s6, $0xb8;
	[tilespmem:$0x10200] =	vst v63  }
0x13: {  	_ =	swait.ge [sflag:s13], $0x4000  }
0x14: {  	[sflag:s13] =	ssyncset.done $0x0  }
0x15: {  	[sflag:s13] =	ssyncadd.s32 $0xFFFFC000  }
0x16: {  	_ =	swait.ge [sflag:s13], $0x4000  }
0x17: {  	[sflag:s13] =	ssyncset.done $0x0  }
0x18: {  	s16 =	ssub.s32 $0x2, s15;
	[sflag:s13] =	ssyncadd.s32 $0xFFFFC000  }
0x19: {  	s17 =	sshrl.u32 s16, $0x1;
	_ =	swait.ge [sflag:s13], $0x4000  }
0x1a: {  	s16 =	ssub.s32 s16, s17;
	[sflag:s13] =	ssyncset.done $0x0  }
0x1b: {  	s30 =	sshll.u32 s2, $0xE;
	s31 =	smax.u32 s16, $0x1;
	[sflag:s13] =	ssyncadd.s32 $0xFFFFC000  }
0x1c: {  	s15 =	sshll.u32 s15, $0xD;
	p0 =	sne.s32 s31, $0x1;
	_ =	swait.ge [sflag:s13], $0x4000  }
.Ltmp0:
0x1d: {  	s14 =	sadd.s32 s14, s15;
	[sflag:s13] =	ssyncset.done $0x0;
	(pc) =	sbr.rel @!p0 .LBB2_2-.Ltmp0, $4  }
0x1e: {  	s14 =	sadd.s32 s30, s14;
	[sflag:s13] =	ssyncadd.s32 $0xFFFFC000  }
0x1f: {  	[hbm4b:s14+s3] =	stream.linear.scatter [tilespmem:s7], [sflag:$0x2], $0x10000, $0x38;
	[tilespmem:$0x10200] =	vst v63  }
0x20: {  	_ =	swait.ge [sflag:s4], $0x10000  }
0x21: {  	s15 =	sadd.s32 $0xFFFFFFFF, s31;
	[sflag:s4] =	ssyncset.done $0x0  }
.LBB2_1:
0x22: {  	p0 =	sne.s32 s15, $0x1;
	s15 =	sadd.s32 $0xFFFFFFFF, s15;
	[sflag:s4] =	ssyncadd.s32 $0xFFFF0000  }
0x23: {  	[tilespmem:s3], [sflag:$0x2] =	stream.linear.gather [hbm4b:s5+s3], $0x200, $0x38;
	[tilespmem:$0x10200] =	vst v63  }
0x24: {  	_ =	swait.ge [sflag:s4], $0x200  }
0x25: {  	[sflag:s4] =	ssyncset.done $0x0  }
0x26: {  	[sflag:s4] =	ssyncadd.s32 $0xFFFFFE00  }
0x27: {  	[tilespmem:s7], [sflag:$0x1] =	stream.indirect.gather [hbm4b:s1+s6], $0x80, s3, s6, $0xb8;
	[tilespmem:$0x10200] =	vst v63  }
0x28: {  	_ = 	snop  }
0x29: {  	[tilespmem:s8], [sflag:$0x1] =	stream.indirect.gather [hbm4b:s1+s6], $0x80, s6, s6, $0xb8;
	[tilespmem:$0x10200] =	vst v63  }
0x2a: {  	_ = 	snop  }
0x2b: {  	[tilespmem:s10], [sflag:$0x1] =	stream.indirect.gather [hbm4b:s1+s6], $0x80, s9, s6, $0xb8;
	[tilespmem:$0x10200] =	vst v63  }
0x2c: {  	_ = 	snop  }
0x2d: {  	[tilespmem:s12], [sflag:$0x1] =	stream.indirect.gather [hbm4b:s1+s6], $0x80, s11, s6, $0xb8;
	[tilespmem:$0x10200] =	vst v63  }
0x2e: {  	_ =	swait.ge [sflag:s13], $0x4000  }
0x2f: {  	[sflag:s13] =	ssyncset.done $0x0  }
0x30: {  	[sflag:s13] =	ssyncadd.s32 $0xFFFFC000  }
0x31: {  	_ =	swait.ge [sflag:s13], $0x4000  }
0x32: {  	[sflag:s13] =	ssyncset.done $0x0  }
0x33: {  	[sflag:s13] =	ssyncadd.s32 $0xFFFFC000  }
0x34: {  	_ =	swait.ge [sflag:s13], $0x4000  }
0x35: {  	[sflag:s13] =	ssyncset.done $0x0  }
0x36: {  	[sflag:s13] =	ssyncadd.s32 $0xFFFFC000  }
0x37: {  	_ =	swait.ge [sflag:s13], $0x4000  }
.Ltmp1:
0x38: {  	[sflag:s13] =	ssyncset.done $0x0;
	(pc) =	sbr.rel @p0 .LBB2_1-.Ltmp1, $4  }
0x39: {  	[sflag:s13] =	ssyncadd.s32 $0xFFFFC000  }
0x3a: {  	[hbm4b:s14+s3] =	stream.linear.scatter [tilespmem:s7], [sflag:$0x2], $0x10000, $0x38;
	[tilespmem:$0x10200] =	vst v63  }
0x3b: {  	_ =	swait.ge [sflag:s4], $0x10000  }
0x3c: {  	[sflag:s4] =	ssyncset.done $0x0  }
.LBB2_2:
0x3d: {  	[sflag:s4] =	ssyncadd.s32 $0xFFFF0000  }
0x3e: {  	_ =	sfence.sel $0x180000  }
0x3f: {  	[bflag:$0x0] =	sbarrier.arrive $0xFFFF  }
0x40: {  	p0 =	sne.s32 s2, $0x0;
	_ =	strace $0x90000047  }
0x41: {  	s0 =	sadd.s32 @!p0 $0x100000, s0;
	[bflag:$0x2] =	sbarrier.arrive $0xFFFF  }
0x42: {  	[sflag:s0] =	ssyncadd.tile.s32 @!p0 $0x1;
	_ =	shalt  }
.Lfunc_end2:
_tile_overlayer_lowered:
.L_overlay_start_2:
0x43: {  	(tag) =	ssettag $0x2  }
0x44: {  	s0 =	rddreg [dreg:$0x0];
	s2 =	stileid.u32  }
0x45: {  	s1 =	rddreg [dreg:$0x1];
	p0 =	sne.s32 s2, $0x0  }
0x46: {  	s3 =	rddreg [dreg:$0x2];
	[bflag:$0x3] =	sbarrier.arrive $0xFFFF;
	s2 =	simm.s32 @!p0 $0x1C02  }
0x47: {  	[timem:s3], [sflag:s2] =	dma.local @!p0 [hbm:s0], s1  }
0x48: {  	s0 =	simm.s32 @!p0 $0x2  }
0x49: {  	_ =	swait.ge @!p0 [sflag:s0], s1  }
0x4a: {  	s1 =	ssub.s32 @!p0 $0x0, s1;
	[sflag:s0] =	ssyncset.done @!p0 $0x0  }
0x4b: {  	[sflag:s0] =	ssyncadd.s32 @!p0 s1  }
0x4c: {  	[bflag:$0x3] =	sbarrier.arrive $0xFFFF  }
0x4d: {  	_ =	shalt  }

</sc_bundles>
